<compile_context>
chip_gen: v7x
topology: tpu7x:2x2x1
jax: 0.10.2.dev20260603
libtpu: 0.0.44.dev20260713+nightly
codegen_flags: <defaults>
</compile_context>

<pallas_src>
import functools

import jax
import jax.numpy as jnp
from jax import lax
from jax.experimental import pallas as pl
from jax.experimental.pallas import tpu as pltpu
from jax.experimental.pallas import tpu_sc as plsc

_ALPHA = 0.1
_NC = 2
_NS = 16
_NW = _NC * _NS
_K = 128



def _prop_body(ht_hbm, zeros_hbm, srcg_hbm, dstg_hbm, out_hbm,
               src_v, dst_v, rows_a, rows_b, acc_sh, sem_a, sem_b):
    c = lax.axis_index("c")
    s = lax.axis_index("s")
    w = c * _NS + s
    rows_per_tile = acc_sh.shape[0] // _NS
    base = s * rows_per_tile
    pltpu.sync_copy(zeros_hbm.at[pl.ds(base, rows_per_tile)],
                    acc_sh.at[pl.ds(base, rows_per_tile)])
    plsc.subcore_barrier()

    hc = src_v.shape[0]
    nhalf = srcg_hbm.shape[1] // hc
    nt = hc // 2

    for hi in range(nhalf):
        pltpu.sync_copy(srcg_hbm.at[w].at[pl.ds(hi * hc, hc)], src_v)
        pltpu.sync_copy(dstg_hbm.at[w].at[pl.ds(hi * hc, hc)], dst_v)

        pltpu.async_copy(ht_hbm.at[src_v.at[0]], rows_a, sem_a)

        def step(t, c2):
            j0 = 2 * t
            pltpu.async_copy(ht_hbm.at[src_v.at[j0 + 1]], rows_b, sem_b)
            pltpu.make_async_copy(ht_hbm.at[src_v.at[j0]], rows_a,
                                  sem_a).wait()
            pltpu.sync_copy(rows_a, acc_sh.at[dst_v.at[j0]], add=True)

            @pl.when(t + 1 < nt)
            def _():
                pltpu.async_copy(ht_hbm.at[src_v.at[j0 + 2]], rows_a, sem_a)

            pltpu.make_async_copy(ht_hbm.at[src_v.at[j0 + 1]], rows_b,
                                  sem_b).wait()
            pltpu.sync_copy(rows_b, acc_sh.at[dst_v.at[j0 + 1]], add=True)
            return c2

        lax.fori_loop(0, nt, step, 0)
    plsc.subcore_barrier()
    pltpu.sync_copy(acc_sh.at[pl.ds(base, rows_per_tile)],
                    out_hbm.at[c].at[pl.ds(base, rows_per_tile)])


def _deg_body(dstg_hbm, zeros_hbm, ones_hbm, out_hbm, dst_v, ones_v, deg_sh):
    c = lax.axis_index("c")
    s = lax.axis_index("s")
    w = c * _NS + s
    rows_per_tile = deg_sh.shape[0] // _NS
    base = s * rows_per_tile
    pltpu.sync_copy(zeros_hbm.at[pl.ds(base, rows_per_tile)],
                    deg_sh.at[pl.ds(base, rows_per_tile)])
    pltpu.sync_copy(ones_hbm, ones_v)
    pltpu.sync_copy(dstg_hbm.at[w], dst_v)
    plsc.subcore_barrier()

    def step(j, c2):
        pltpu.sync_copy(ones_v, deg_sh.at[dst_v.at[j]], add=True)
        return c2

    lax.fori_loop(0, dst_v.shape[0], step, 0)
    plsc.subcore_barrier()
    pltpu.sync_copy(deg_sh.at[pl.ds(base, rows_per_tile)],
                    out_hbm.at[c].at[pl.ds(base, rows_per_tile)])


@functools.partial(jax.jit, static_argnames=("m",))
def _degree(dstg, zeros, ones, *, m):
    mesh = plsc.VectorSubcoreMesh(core_axis_name="c", subcore_axis_name="s")
    nchunks = dstg.shape[1]
    return pl.kernel(
        _deg_body,
        out_type=jax.ShapeDtypeStruct((_NC, m, 32), jnp.float32),
        mesh=mesh,
        scratch_types=[
            pltpu.VMEM((nchunks, _K), jnp.int32),
            pltpu.VMEM((_K, 32), jnp.float32),
            pltpu.VMEM_SHARED((m, 32), jnp.float32),
        ],
    )(dstg, zeros, ones)


_HC = 40


@functools.partial(jax.jit, static_argnames=("m",))
def _propagate(ht, zeros, srcg, dstg, *, m):
    mesh = plsc.VectorSubcoreMesh(core_axis_name="c", subcore_axis_name="s")
    return pl.kernel(
        _prop_body,
        out_type=jax.ShapeDtypeStruct((_NC, m, 128), jnp.float32),
        mesh=mesh,
        scratch_types=[
            pltpu.VMEM((_HC, _K), jnp.int32),
            pltpu.VMEM((_HC, _K), jnp.int32),
            pltpu.VMEM((_K, 128), jnp.float32),
            pltpu.VMEM((_K, 128), jnp.float32),
            pltpu.VMEM_SHARED((m, 128), jnp.float32),
            pltpu.SemaphoreType.DMA,
            pltpu.SemaphoreType.DMA,
        ],
    )(ht, zeros, srcg, dstg)



def _row_spec(bn):
    return pl.BlockSpec((bn, 128), lambda i: (i, 0))


def _scale_body(x_ref, degp_ref, ht_ref, dinv_ref):
    deg = degp_ref[0][:, 0:1] + degp_ref[1][:, 0:1] + 1.0
    dinv = deg ** -0.5
    ht_ref[...] = dinv * x_ref[...]
    dinv_ref[...] = dinv


def _layer_body(p_ref, htp_ref, x0_ref, dinv_ref, w_ref, h_ref, ht_ref):
    ssum = p_ref[0] + p_ref[1] + htp_ref[...]
    u = (1.0 - _ALPHA) * (dinv_ref[...] * ssum) + _ALPHA * x0_ref[...]
    h = jnp.maximum(
        jax.lax.dot(u, w_ref[...], preferred_element_type=jnp.float32), 0.0)
    h_ref[...] = h
    ht_ref[...] = dinv_ref[...] * h


def _layer3_body(p_ref, htp_ref, x0_ref, dinv_ref, w_ref, wgt_ref, htg_ref):
    ssum = p_ref[0] + p_ref[1] + htp_ref[...]
    u = (1.0 - _ALPHA) * (dinv_ref[...] * ssum) + _ALPHA * x0_ref[...]
    h = jnp.maximum(
        jax.lax.dot(u, w_ref[...], preferred_element_type=jnp.float32), 0.0)
    hg = jax.lax.dot(h, wgt_ref[...], preferred_element_type=jnp.float32)
    htg_ref[...] = dinv_ref[...] * hg


def _final_body(p_ref, htg_ref, dinv_ref, bg_ref, whc_ref, bhc_ref,
                h_ref, o8_ref):
    ssum = p_ref[0] + p_ref[1] + htg_ref[...]
    h = dinv_ref[...] * ssum + bg_ref[...]
    h_ref[...] = h
    o8_ref[...] = jax.lax.dot(
        h, whc_ref[...], preferred_element_type=jnp.float32) + bhc_ref[...]


def _tc_call(body, grid, in_specs, out_specs, out_shape, args):
    return pl.pallas_call(
        body, grid=grid, in_specs=in_specs, out_specs=out_specs,
        out_shape=out_shape)(*args)



def kernel(x, edge_index, W1_0, W1_1, W1_2, Wg, bg, Wh1, bh1, Wh2, bh2):
    n, f = x.shape
    e = edge_index.shape[1]
    assert f == 128
    m = -(-n // (_NS * 8)) * (_NS * 8)
    bn = m // _NS
    grid = (_NS,)
    nchunks = -(-e // (_NW * _K * _HC)) * _HC
    e_pad = _NW * nchunks * _K

    src = edge_index[0]
    dst = edge_index[1]
    x_p = jnp.pad(x, ((0, m - n), (0, 0)))

    pad_i = n + jnp.arange(e_pad - e, dtype=jnp.int32) % (m - n)
    srcg = jnp.concatenate([src, pad_i]).reshape(_NW, nchunks, _K)
    dstg = jnp.concatenate([dst, pad_i]).reshape(_NW, nchunks, _K)
    zeros = jnp.zeros((m, 128), jnp.float32)

    prop = functools.partial(_propagate, zeros=zeros, srcg=srcg, dstg=dstg,
                             m=m)

    dinv_spec = pl.BlockSpec((bn, 1), lambda i: (i, 0))
    w_spec = pl.BlockSpec((128, 128), lambda i: (0, 0))
    p_spec = pl.BlockSpec((_NC, bn, 128), lambda i: (0, i, 0))
    row128 = jax.ShapeDtypeStruct((m, 128), jnp.float32)

    degp = _degree(dstg, jnp.zeros((m, 32), jnp.float32),
                   jnp.ones((_K, 32), jnp.float32), m=m)
    ht, dinv_p = _tc_call(
        _scale_body, grid,
        [_row_spec(bn), pl.BlockSpec((_NC, bn, 32), lambda i: (0, i, 0))],
        [_row_spec(bn), pl.BlockSpec((bn, 1), lambda i: (i, 0))],
        [row128, jax.ShapeDtypeStruct((m, 1), jnp.float32)],
        (x_p, degp))

    x0 = x_p
    for w_mat in (W1_0, W1_1):
        parts = prop(ht)
        h, ht_new = _tc_call(
            _layer_body, grid,
            [p_spec, _row_spec(bn), _row_spec(bn), dinv_spec, w_spec],
            [_row_spec(bn), _row_spec(bn)], [row128, row128],
            (parts, ht, x0, dinv_p, w_mat))
        x0, ht = h, ht_new

    parts = prop(ht)
    htg = _tc_call(
        _layer3_body, grid,
        [p_spec, _row_spec(bn), _row_spec(bn), dinv_spec, w_spec, w_spec],
        _row_spec(bn), row128,
        (parts, ht, x0, dinv_p, W1_2, Wg.T))

    parts = prop(htg)
    whc = jnp.concatenate(
        [Wh1, Wh2, jnp.zeros((1, f), Wh1.dtype)], axis=0).T
    bhc = jnp.concatenate([bh1, bh2, jnp.zeros((1,), bh1.dtype)])[None, :]
    h_out, o8 = _tc_call(
        _final_body, grid,
        [p_spec, _row_spec(bn), dinv_spec,
         pl.BlockSpec((1, 128), lambda i: (0, 0)),
         pl.BlockSpec((128, 8), lambda i: (0, 0)),
         pl.BlockSpec((1, 8), lambda i: (0, 0))],
        [_row_spec(bn), pl.BlockSpec((bn, 8), lambda i: (i, 0))],
        [row128, jax.ShapeDtypeStruct((m, 8), jnp.float32)],
        (parts, htg, dinv_p, bg[None, :], whc, bhc))

    out1 = o8[:n, :4]
    out2 = o8[:n, 4:7]
    return (out1, out2, h_out[:n])

# --- scband reference (transcript-rebuilt; emitter-appended) ---
"""Pipeline reference for scband-gcnii-12687333392405 (READ-ONLY COPY).

The authoritative reference and input builder live on the scoring server;
editing this copy changes nothing except your own understanding.
"""

import jax, jax.numpy as jnp
import numpy as np

ALPHA = 0.1

def gcn_prop(x, edge_index):
    # PyG gcn_norm with add_self_loops=True, improved=False, then add-aggregation propagate
    num_nodes = x.shape[0]
    src = edge_index[0]
    dst = edge_index[1]
    loop = jnp.arange(num_nodes, dtype=edge_index.dtype)
    src = jnp.concatenate([src, loop])
    dst = jnp.concatenate([dst, loop])
    w = jnp.ones(src.shape[0], dtype=x.dtype)
    deg = jnp.zeros(num_nodes, dtype=x.dtype).at[dst].add(w)
    dinv = jnp.where(deg > 0, deg ** -0.5, 0.0)
    norm = dinv[src] * w * dinv[dst]
    msg = x[src] * norm[:, None]
    return jnp.zeros((num_nodes, x.shape[1]), dtype=x.dtype).at[dst].add(msg)

def setup_inputs(seed: int = 0):
    key = jax.random.key(seed)
    ks = jax.random.split(key, 16)
    N, E, F, H = 10000, 320000, 128, 128
    x = jax.random.normal(ks[0], (N, F), dtype=jnp.float32)
    edge_index = jax.random.randint(ks[1], (2, E), 0, N, dtype=jnp.int32)
    W1_0 = jax.random.normal(ks[2], (F, F), dtype=jnp.float32) * 0.05
    W1_1 = jax.random.normal(ks[3], (F, F), dtype=jnp.float32) * 0.05
    W1_2 = jax.random.normal(ks[4], (F, F), dtype=jnp.float32) * 0.05
    Wg = jax.random.normal(ks[5], (H, F), dtype=jnp.float32) * 0.05
    bg = jnp.zeros((H,), dtype=jnp.float32)
    Wh1 = jax.random.normal(ks[6], (4, H), dtype=jnp.float32) * 0.05
    bh1 = jnp.zeros((4,), dtype=jnp.float32)
    Wh2 = jax.random.normal(ks[7], (3, H), dtype=jnp.float32) * 0.05
    bh2 = jnp.zeros((3,), dtype=jnp.float32)
    return {"x": x, "edge_index": edge_index, "W1_0": W1_0, "W1_1": W1_1, "W1_2": W1_2,
            "Wg": Wg, "bg": bg, "Wh1": Wh1, "bh1": bh1, "Wh2": Wh2, "bh2": bh2}

def reference(x, edge_index, W1_0, W1_1, W1_2, Wg, bg, Wh1, bh1, Wh2, bh2):
    # GCNII eval-mode forward (dropout is identity). Each GCN2Conv has theta=None -> beta=1.0,
    # shared_weights=True -> out = ((1-alpha)*A_hat h + alpha*h0) @ W1
    x0 = x
    h = x
    for W in (W1_0, W1_1, W1_2):
        p = gcn_prop(h, edge_index)
        h = (1.0 - ALPHA) * p + ALPHA * x0
        h = h @ W
        h = jax.nn.relu(h)
        x0 = h
    # GCNConv: linear (no bias) then normalized propagate, then bias
    h = h @ Wg.T
    h = gcn_prop(h, edge_index) + bg
    out1 = h @ Wh1.T + bh1
    out2 = h @ Wh2.T + bh2
    return (out1, out2, h)

if __name__ == "__main__":
    import jax
    _d = setup_inputs()
    print(jax.jit(kernel)(*tuple(_d.values())))

</pallas_src>

<mosaic_0001>
#map = affine_map<(d0, d1) -> (0, 0, 0)>
#map1 = affine_map<(d0, d1) -> (0, 0)>
module attributes {stable_mosaic.version = 14 : i64} {
  func.func @_deg_body(%arg0: i32, %arg1: i32, %arg2: memref<32x80x128xi32, #tpu.memory_space<hbm>>, %arg3: memref<10112x32xf32, #tpu.memory_space<hbm>>, %arg4: memref<128x32xf32, #tpu.memory_space<hbm>>, %arg5: memref<2x10112x32xf32, #tpu.memory_space<hbm>>, %arg6: memref<80x128xi32, #tpu.memory_space<vmem>>, %arg7: memref<128x32xf32, #tpu.memory_space<vmem>>, %arg8: memref<10112x32xf32, #tpu.memory_space<vmem_shared>>) attributes {dimension_semantics = [#tpu.dimension_semantics<core_parallel>, #tpu.dimension_semantics<subcore_parallel>], iteration_bounds = array<i64: 2, 16>, scalar_prefetch = 0 : i64, scratch_operands = 3 : i64, tpu.core_type = #tpu.core_type<sc_vector_subcore>, window_params = [{transform_indices = #map}, {transform_indices = #map1}, {transform_indices = #map1}, {transform_indices = #map}]} {
    %mul3A = arith.constant 16 : i32
    %mul3A_0 = arith.muli %arg0, %mul3A : i32
    %add3A = arith.addi %mul3A_0, %arg1 : i32
    %mul3A_1 = arith.constant 632 : i32
    %mul3A_2 = arith.muli %arg1, %mul3A_1 : i32
    "tpu.region"() ({
      %run_scoped3A = tpu.sem_alloc : memref<!tpu.dma_semaphore, #tpu.memory_space<semaphore_mem>>
      %dma_start3A = arith.constant 0 : i32
      %dma_start3A_9 = tpu.memref_slice %arg8[%mul3A_2, %dma_start3A] : memref<10112x32xf32, #tpu.memory_space<vmem_shared>> -> memref<632x32xf32, #tpu.memory_space<vmem_shared>>
      %dma_start3A_10 = arith.constant 0 : i32
      %dma_start3A_11 = tpu.memref_slice %arg3[%mul3A_2, %dma_start3A_10] : memref<10112x32xf32, #tpu.memory_space<hbm>> -> memref<632x32xf32, #tpu.memory_space<hbm>>
      tpu.enqueue_dma source(%dma_start3A_11 : memref<632x32xf32, #tpu.memory_space<hbm>>) target(%dma_start3A_9 : memref<632x32xf32, #tpu.memory_space<vmem_shared>>) target_semaphore(%run_scoped3A : memref<!tpu.dma_semaphore, #tpu.memory_space<semaphore_mem>>)
      %dma_wait3A = arith.constant 0 : i32
      %dma_wait3A_12 = tpu.memref_slice %arg8[%mul3A_2, %dma_wait3A] : memref<10112x32xf32, #tpu.memory_space<vmem_shared>> -> memref<632x32xf32, #tpu.memory_space<vmem_shared>>
      %dma_wait3A_13 = arith.constant 0 : i32
      %dma_wait3A_14 = tpu.memref_slice %arg3[%mul3A_2, %dma_wait3A_13] : memref<10112x32xf32, #tpu.memory_space<hbm>> -> memref<632x32xf32, #tpu.memory_space<hbm>>
      tpu.wait_dma2 semaphore(%run_scoped3A : memref<!tpu.dma_semaphore, #tpu.memory_space<semaphore_mem>>) src(%dma_wait3A_14 : memref<632x32xf32, #tpu.memory_space<hbm>>) dst(%dma_wait3A_12 : memref<632x32xf32, #tpu.memory_space<vmem_shared>>)
      tpu.yield
    }) : () -> ()
    "tpu.region"() ({
      %run_scoped3A = tpu.sem_alloc : memref<!tpu.dma_semaphore, #tpu.memory_space<semaphore_mem>>
      tpu.enqueue_dma source(%arg4 : memref<128x32xf32, #tpu.memory_space<hbm>>) target(%arg7 : memref<128x32xf32, #tpu.memory_space<vmem>>) target_semaphore(%run_scoped3A : memref<!tpu.dma_semaphore, #tpu.memory_space<semaphore_mem>>)
      tpu.wait_dma2 semaphore(%run_scoped3A : memref<!tpu.dma_semaphore, #tpu.memory_space<semaphore_mem>>) src(%arg4 : memref<128x32xf32, #tpu.memory_space<hbm>>) dst(%arg7 : memref<128x32xf32, #tpu.memory_space<vmem>>)
      tpu.yield
    }) : () -> ()
    "tpu.region"() ({
      %run_scoped3A = tpu.sem_alloc : memref<!tpu.dma_semaphore, #tpu.memory_space<semaphore_mem>>
      %dma_start3A = arith.constant 0 : i32
      %dma_start3A_9 = arith.constant 0 : i32
      %dma_start3A_10 = tpu.memref_slice %arg2[%add3A, %dma_start3A, %dma_start3A_9] : memref<32x80x128xi32, #tpu.memory_space<hbm>> -> memref<1x80x128xi32, #tpu.memory_space<hbm>>
      %dma_start3A_11 = tpu.memref_squeeze %dma_start3A_10 : memref<1x80x128xi32, #tpu.memory_space<hbm>> -> memref<80x128xi32, #tpu.memory_space<hbm>>
      %dma_start3A_12 = arith.constant 0 : i32
      %dma_start3A_13 = arith.constant 0 : i32
      %dma_start3A_14 = tpu.memref_slice %arg2[%add3A, %dma_start3A_12, %dma_start3A_13] : memref<32x80x128xi32, #tpu.memory_space<hbm>> -> memref<1x80x128xi32, #tpu.memory_space<hbm>>
      %dma_start3A_15 = tpu.memref_squeeze %dma_start3A_14 : memref<1x80x128xi32, #tpu.memory_space<hbm>> -> memref<80x128xi32, #tpu.memory_space<hbm>>
      tpu.enqueue_dma source(%dma_start3A_15 : memref<80x128xi32, #tpu.memory_space<hbm>>) target(%arg6 : memref<80x128xi32, #tpu.memory_space<vmem>>) target_semaphore(%run_scoped3A : memref<!tpu.dma_semaphore, #tpu.memory_space<semaphore_mem>>)
      %dma_wait3A = arith.constant 0 : i32
      %dma_wait3A_16 = arith.constant 0 : i32
      %dma_wait3A_17 = tpu.memref_slice %arg2[%add3A, %dma_wait3A, %dma_wait3A_16] : memref<32x80x128xi32, #tpu.memory_space<hbm>> -> memref<1x80x128xi32, #tpu.memory_space<hbm>>
      %dma_wait3A_18 = tpu.memref_squeeze %dma_wait3A_17 : memref<1x80x128xi32, #tpu.memory_space<hbm>> -> memref<80x128xi32, #tpu.memory_space<hbm>>
      %dma_wait3A_19 = arith.constant 0 : i32
      %dma_wait3A_20 = arith.constant 0 : i32
      %dma_wait3A_21 = tpu.memref_slice %arg2[%add3A, %dma_wait3A_19, %dma_wait3A_20] : memref<32x80x128xi32, #tpu.memory_space<hbm>> -> memref<1x80x128xi32, #tpu.memory_space<hbm>>
      %dma_wait3A_22 = tpu.memref_squeeze %dma_wait3A_21 : memref<1x80x128xi32, #tpu.memory_space<hbm>> -> memref<80x128xi32, #tpu.memory_space<hbm>>
      tpu.wait_dma2 semaphore(%run_scoped3A : memref<!tpu.dma_semaphore, #tpu.memory_space<semaphore_mem>>) src(%dma_wait3A_22 : memref<80x128xi32, #tpu.memory_space<hbm>>) dst(%arg6 : memref<80x128xi32, #tpu.memory_space<vmem>>)
      tpu.yield
    }) : () -> ()
    %barrier3A = arith.constant 0 : index
    tpu.barrier barrier_id(%barrier3A)
    %scan3A = arith.constant 0 : i32
    %scan3A_3 = arith.constant 0 : i32
    %scan3A_4 = arith.constant 80 : i32
    %scan3A_5 = arith.addi %scan3A_3, %scan3A_4 : i32
    %scan3A_6 = arith.constant 1 : i32
    scf.for %scan3A_9 = %scan3A_3 to %scan3A_5 step %scan3A_6  : i32 {
      "tpu.region"() ({
        %run_scoped3A = tpu.sem_alloc : memref<!tpu.dma_semaphore, #tpu.memory_space<semaphore_mem>>
        %dma_start3A = arith.constant 0 : i32
        %dma_start3A_10 = tpu.memref_slice %arg6[%scan3A_9, %dma_start3A] : memref<80x128xi32, #tpu.memory_space<vmem>> -> memref<1x128xi32, #tpu.memory_space<vmem>>
        %dma_start3A_11 = tpu.memref_squeeze %dma_start3A_10 : memref<1x128xi32, #tpu.memory_space<vmem>> -> memref<128xi32, #tpu.memory_space<vmem>>
        %dma_start3A_12 = arith.constant 0 : i32
        %dma_start3A_13 = arith.constant 0 : i32
        %dma_start3A_14 = tpu.memref_slice %arg8[%dma_start3A_12, %dma_start3A_13] : memref<10112x32xf32, #tpu.memory_space<vmem_shared>> -> memref<10112x32xf32, #tpu.memory_space<vmem_shared>>
        tpu.enqueue_indirect_dma source(%arg7 : memref<128x32xf32, #tpu.memory_space<vmem>>) target(%dma_start3A_14 : memref<10112x32xf32, #tpu.memory_space<vmem_shared>>) offsets(%dma_start3A_11 : memref<128xi32, #tpu.memory_space<vmem>>) semaphore(%run_scoped3A : memref<!tpu.dma_semaphore, #tpu.memory_space<semaphore_mem>>) {add = true}
        %dma_wait3A = arith.constant 0 : i32
        %dma_wait3A_15 = tpu.memref_slice %arg6[%scan3A_9, %dma_wait3A] : memref<80x128xi32, #tpu.memory_space<vmem>> -> memref<1x128xi32, #tpu.memory_space<vmem>>
        %dma_wait3A_16 = tpu.memref_squeeze %dma_wait3A_15 : memref<1x128xi32, #tpu.memory_space<vmem>> -> memref<128xi32, #tpu.memory_space<vmem>>
        %dma_wait3A_17 = arith.constant 0 : i32
        %dma_wait3A_18 = arith.constant 0 : i32
        %dma_wait3A_19 = tpu.memref_slice %arg8[%dma_wait3A_17, %dma_wait3A_18] : memref<10112x32xf32, #tpu.memory_space<vmem_shared>> -> memref<10112x32xf32, #tpu.memory_space<vmem_shared>>
        tpu.wait_indirect_dma semaphore(%run_scoped3A : memref<!tpu.dma_semaphore, #tpu.memory_space<semaphore_mem>>) src(%arg7 : memref<128x32xf32, #tpu.memory_space<vmem>>) dst(%dma_wait3A_19 : memref<10112x32xf32, #tpu.memory_space<vmem_shared>>)
        tpu.yield
      }) : () -> ()
    }
    %scan3A_7 = arith.constant 80 : i32
    %barrier3A_8 = arith.constant 0 : index
    tpu.barrier barrier_id(%barrier3A_8)
    "tpu.region"() ({
      %run_scoped3A = tpu.sem_alloc : memref<!tpu.dma_semaphore, #tpu.memory_space<semaphore_mem>>
      %dma_start3A = arith.constant 0 : i32
      %dma_start3A_9 = arith.constant 0 : i32
      %dma_start3A_10 = tpu.memref_slice %arg5[%arg0, %dma_start3A, %dma_start3A_9] : memref<2x10112x32xf32, #tpu.memory_space<hbm>> -> memref<1x10112x32xf32, #tpu.memory_space<hbm>>
      %dma_start3A_11 = tpu.memref_squeeze %dma_start3A_10 : memref<1x10112x32xf32, #tpu.memory_space<hbm>> -> memref<10112x32xf32, #tpu.memory_space<hbm>>
      %dma_start3A_12 = arith.constant 0 : i32
      %dma_start3A_13 = tpu.memref_slice %dma_start3A_11[%mul3A_2, %dma_start3A_12] : memref<10112x32xf32, #tpu.memory_space<hbm>> -> memref<632x32xf32, #tpu.memory_space<hbm>>
      %dma_start3A_14 = arith.constant 0 : i32
      %dma_start3A_15 = tpu.memref_slice %arg8[%mul3A_2, %dma_start3A_14] : memref<10112x32xf32, #tpu.memory_space<vmem_shared>> -> memref<632x32xf32, #tpu.memory_space<vmem_shared>>
      tpu.enqueue_dma source(%dma_start3A_15 : memref<632x32xf32, #tpu.memory_space<vmem_shared>>) target(%dma_start3A_13 : memref<632x32xf32, #tpu.memory_space<hbm>>) target_semaphore(%run_scoped3A : memref<!tpu.dma_semaphore, #tpu.memory_space<semaphore_mem>>)
      %dma_wait3A = arith.constant 0 : i32
      %dma_wait3A_16 = arith.constant 0 : i32
      %dma_wait3A_17 = tpu.memref_slice %arg5[%arg0, %dma_wait3A, %dma_wait3A_16] : memref<2x10112x32xf32, #tpu.memory_space<hbm>> -> memref<1x10112x32xf32, #tpu.memory_space<hbm>>
      %dma_wait3A_18 = tpu.memref_squeeze %dma_wait3A_17 : memref<1x10112x32xf32, #tpu.memory_space<hbm>> -> memref<10112x32xf32, #tpu.memory_space<hbm>>
      %dma_wait3A_19 = arith.constant 0 : i32
      %dma_wait3A_20 = tpu.memref_slice %dma_wait3A_18[%mul3A_2, %dma_wait3A_19] : memref<10112x32xf32, #tpu.memory_space<hbm>> -> memref<632x32xf32, #tpu.memory_space<hbm>>
      %dma_wait3A_21 = arith.constant 0 : i32
      %dma_wait3A_22 = tpu.memref_slice %arg8[%mul3A_2, %dma_wait3A_21] : memref<10112x32xf32, #tpu.memory_space<vmem_shared>> -> memref<632x32xf32, #tpu.memory_space<vmem_shared>>
      tpu.wait_dma2 semaphore(%run_scoped3A : memref<!tpu.dma_semaphore, #tpu.memory_space<semaphore_mem>>) src(%dma_wait3A_22 : memref<632x32xf32, #tpu.memory_space<vmem_shared>>) dst(%dma_wait3A_20 : memref<632x32xf32, #tpu.memory_space<hbm>>)
      tpu.yield
    }) : () -> ()
    return
  }
}

</mosaic_0001>

<sc_bundles>
// kernel: _degree.3.cloned.1.call-start
scs
__scs_entry_jumppad:
0x0: {  	(pc) =	sbr.rel $0x88, $3  }
0x1: {  	(tag) =	ssettag $0x0;
	lr =	simm.s32 $0x1  }
0x2: {  	[smem:$0x3F9E] =	sst lr;
	_ =	strace $0xD0000000  }
0x3: {  	_ = 	snop  }
0x4: {  	_ = 	snop  }
0x5: {  	_ = 	snop  }
0x6: {  	_ = 	snop  }
0x7: {  	_ = 	snop  }
__scs_overlays_trampoline_lowered:
0x8: {  	[smem:$0x3FAD] =	sst s0  }
0x9: {  	[smem:$0x3FAE] =	sst s1  }
0xa: {  	[smem:$0x3FAF] =	sst s2  }
0xb: {  	[smem:$0x3FB0] =	sst s3  }
0xc: {  	[smem:$0x3FB1] =	sst s4  }
0xd: {  	[smem:$0x3FB2] =	sst s5  }
0xe: {  	[smem:$0x3FB3] =	sst s6  }
0xf: {  	[smem:$0x3FB4] =	sst s7  }
0x10: {  	[smem:$0x3FB5] =	sst s8  }
0x11: {  	[smem:$0x3FB6] =	sst s9;
	s0 =	simm.s32 @!p0 $0x0  }
0x12: {  	s1 =	sld [smem:$0x3F9C];
	s0 =	simm.s32 @p0 $0x1  }
0x13: {  	[smem:$0x3FB7] =	sst s0;
	s0 =	simm.s32 @!p1 $0x0  }
0x14: {  	s2 =	sld [smem:$0x3F9B];
	s0 =	simm.s32 @p1 $0x1  }
0x15: {  	[smem:$0x3FB8] =	sst s0;
	s0 =	simm.s32 @!p2 $0x0  }
0x16: {  	s3 =	sld [smem:$0x3FDB];
	s0 =	simm.s32 @p2 $0x1  }
0x17: {  	s4 =	simm.s32 $0x1BF5;
	[smem:$0x3FBA] =	sst s0  }
0x18: {  	s0 =	sld [smem:$0x3F9D];
	_ =	swait.ge [sflag:s4], $0x0  }
0x19: {  	s7 =	sld [smem:$0x3F9E]  }
0x1a: {  	s8 =	sadd.s32 $0xFFFFE003, lr  }
0x1b: {  	s9 =	sadd.s32 $0xFFFFFEF7, lr;
	s5 =	simm.s32 $0xFFFFFFFF;
	p2 =	slt.u32 s8, $0xFFFFF086  }
0x1c: {  	p1 =	slt.u32 s9, $0xF7A;
	s5 =	simm.s32 @!p2 $0x0  }
0x1d: {  	s5 =	simm.s32 @p1 $0x1;
	p0 =	seq.s32 s7, s2  }
0x1e: {  	s7 =	smul.u32 @!p0 $0xF7A, s2;
	p2 =	seq.s32 @!p0 s5, $0x0  }
0x1f: {  	s9 =	smul.u32 $0xF7A, s1;
	s8 =	simm.s32 @!p0 $0x1BF5;
	p2 =	por !p2, p0  }
0x20: {  	[sflag:s8] =	ssyncset.s32 @!p0 $0xFFFFF086;
	s6 =	sadd.s32 @!p0 s3, s7;
	s7 =	simm.s32 @!p0 $0x108  }
0x21: {  	s3 =	sadd.s32 s3, s9;
	s6 =	sadd.s32 @!p0 $0x88, s6;
	s7 =	simm.s32 @p2 $0x1082  }
0x22: {  	[simem:s7], [sflag:s8] =	dma.local @!p0 [hbm:s6], $0xF7A  }
0x23: {  	s9 =	sor.u32 $0xD0000000, s2;
	s6 =	simm.s32 $0x108;
	_ =	swait.ge @!p0 [sflag:s8], $0x0  }
0x24: {  	s3 =	sadd.s32 $0x88, s3;
	s6 =	simm.s32 @!p1 $0x1082;
	[sflag:s4] =	ssyncset.s32 $0xFFFFF086  }
0x25: {  	[simem:s6], [sflag:s4] =	dma.local [hbm:s3], $0xF7A  }
0x26: {  	[smem:$0x3F9E] =	sst s1;
	(tag) =	ssettag s2;
	_ =	strace s9  }
0x27: {  	s1 =	sld [smem:$0x3FAE]  }
0x28: {  	s2 =	sld [smem:$0x3FAF]  }
0x29: {  	s4 =	sld [smem:$0x3FB1]  }
0x2a: {  	p0 =	seq.s32 s5, $0x0;
	s5 =	sld [smem:$0x3FB2]  }
0x2b: {  	s6 =	sld [smem:$0x3FB3]  }
0x2c: {  	s7 =	sld [smem:$0x3FB4]  }
0x2d: {  	s3 =	simm.s32 $0x108;
	s8 =	sld [smem:$0x3FB5]  }
0x2e: {  	s3 =	simm.s32 @!p0 $0x1082;
	s9 =	sld [smem:$0x3FB6]  }
0x2f: {  	lr =	sadd.s32 s0, s3;
	s0 =	sld [smem:$0x3FAD]  }
0x30: {  	s3 =	sld [smem:$0x3FB0]  }
0x31: {  	[smem:$0x3FB9] =	sst s10  }
0x32: {  	s10 =	sld [smem:$0x3FB7];
	_ =	sdelay $0x3  }
0x33: {  	p0 =	seq.s32 s10, $0x1;
	s10 =	sld [smem:$0x3FB9];
	_ =	sdelay $0x3  }
0x34: {  	[smem:$0x3FB9] =	sst s10  }
0x35: {  	s10 =	sld [smem:$0x3FB8];
	_ =	sdelay $0x3  }
0x36: {  	p1 =	seq.s32 s10, $0x1;
	s10 =	sld [smem:$0x3FB9];
	_ =	sdelay $0x3  }
0x37: {  	[smem:$0x3FB9] =	sst s10  }
0x38: {  	s10 =	sld [smem:$0x3FBA]  }
0x39: {  	_ = 	snop;
	(pc) =	sbr.ind lr, $3  }
0x3a: {  	_ = 	snop  }
0x3b: {  	_ = 	snop  }
0x3c: {  	p2 =	seq.s32 s10, $0x1;
	s10 =	sld [smem:$0x3FB9]  }
0x3d: {  	_ =	shalt  }
0x3e: {  	_ =	shalt  }
0x3f: {  	_ =	shalt  }
0x40: {  	_ =	shalt  }
0x41: {  	_ =	shalt  }
0x42: {  	_ =	shalt  }
0x43: {  	_ =	shalt  }
0x44: {  	_ =	shalt  }
0x45: {  	_ =	shalt  }
0x46: {  	_ =	shalt  }
0x47: {  	_ =	shalt  }
0x48: {  	_ =	shalt  }
0x49: {  	_ =	shalt  }
0x4a: {  	_ =	shalt  }
0x4b: {  	_ =	shalt  }
0x4c: {  	_ =	shalt  }
0x4d: {  	_ =	shalt  }
0x4e: {  	_ =	shalt  }
0x4f: {  	_ =	shalt  }
0x50: {  	_ =	shalt  }
0x51: {  	_ =	shalt  }
0x52: {  	_ =	shalt  }
0x53: {  	_ =	shalt  }
0x54: {  	_ =	shalt  }
0x55: {  	_ =	shalt  }
0x56: {  	_ =	shalt  }
0x57: {  	_ =	shalt  }
0x58: {  	_ =	shalt  }
0x59: {  	_ =	shalt  }
0x5a: {  	_ =	shalt  }
0x5b: {  	_ =	shalt  }
0x5c: {  	_ =	shalt  }
0x5d: {  	_ =	shalt  }
0x5e: {  	_ =	shalt  }
0x5f: {  	_ =	shalt  }
0x60: {  	_ =	shalt  }
0x61: {  	_ =	shalt  }
0x62: {  	_ =	shalt  }
0x63: {  	_ =	shalt  }
0x64: {  	_ =	shalt  }
0x65: {  	_ =	shalt  }
0x66: {  	_ =	shalt  }
0x67: {  	_ =	shalt  }
0x68: {  	_ =	shalt  }
0x69: {  	_ =	shalt  }
0x6a: {  	_ =	shalt  }
0x6b: {  	_ =	shalt  }
0x6c: {  	_ =	shalt  }
0x6d: {  	_ =	shalt  }
0x6e: {  	_ =	shalt  }
0x6f: {  	_ =	shalt  }
0x70: {  	_ =	shalt  }
0x71: {  	_ =	shalt  }
0x72: {  	_ =	shalt  }
0x73: {  	_ =	shalt  }
0x74: {  	_ =	shalt  }
0x75: {  	_ =	shalt  }
0x76: {  	_ =	shalt  }
0x77: {  	_ =	shalt  }
0x78: {  	_ =	shalt  }
0x79: {  	_ =	shalt  }
0x7a: {  	_ =	shalt  }
0x7b: {  	_ =	shalt  }
0x7c: {  	_ =	shalt  }
0x7d: {  	_ =	shalt  }
0x7e: {  	_ =	shalt  }
0x7f: {  	_ =	shalt  }
0x80: {  	_ =	shalt  }
0x81: {  	_ =	shalt  }
0x82: {  	_ =	shalt  }
0x83: {  	_ =	shalt  }
0x84: {  	_ =	shalt  }
0x85: {  	_ =	shalt  }
0x86: {  	_ =	shalt  }
0x87: {  	_ =	shalt  }
.Lfunc_end0:
.L_simem_size_0:
called_computation_lowered:
.L_overlay_start_0:
0x88: {  	s2 =	sld [smem:$0x3FD9]  }
0x89: {  	s3 =	sld [smem:$0x3FFE];
	_ =	sdelay $0x1  }
0x8a: {  	s1 =	srdreg.scid  }
0x8b: {  	s0 =	sand.u32 $0x1, s1  }
0x8c: {  	s17 =	sshll.u32 s0, $0xA;
	s2 =	sadd.s32 s3, s2  }
0x8d: {  	s2 =	sadd.s32 s2, s17  }
0x8e: {  	[smem:$0x3FC5] =	sst s2  }
0x8f: {  	_ = 	snop  }
0x90: {  	s2 =	sld [smem:$0x3FC9]  }
0x91: {  	s18 =	sld [smem:$0x3FD0];
	(tm) =	ssettm $0x1  }
0x92: {  	s4 =	sld [smem:$0x3FFB];
	_ =	sdelay $0x3  }
0x93: {  	_ =	strace s4  }
0x94: {  	s4 =	sld [smem:$0x3FFC];
	_ =	sdelay $0x3  }
0x95: {  	_ =	strace s4  }
0x96: {  	s4 =	sld [smem:$0x3FFD];
	_ =	sdelay $0x3  }
0x97: {  	_ =	strace s4  }
0x98: {  	_ =	strace $0x8FFFFFFF  }
0x99: {  	s19 =	sld [smem:$0x3FDB];
	_ =	sdelay $0x1  }
0x9a: {  	s5 =	simm.s32 $_scs_section_size  }
0x9b: {  	s6 =	simm.s32 $_size__tile_overlayer_lowered;
	s7 =	simm.s32 $_tile_overlayer_lowered  }
0x9c: {  	s22 =	simm.s32 $0x1BFF;
	s21 =	sshll.u32 s7, $0x1;
	s4 =	sadd.s32 s5, s19  }
0x9d: {  	s8 =	simm.s32 $0x0;
	s20 =	sshll.u32 s6, $0x1;
	s6 =	sadd.s32 s21, s4  }
0x9e: {  	[timem:s8], [sflag:s22] =	dma.local [hbm:s6], s20  }
0x9f: {  	_ =	swait.ge [sflag:s22], s20  }
0xa0: {  	s5 =	ssub.s32 $0x0, s20;
	[sflag:s22] =	ssyncset.done $0x0  }
0xa1: {  	[sflag:s22] =	ssyncadd.s32 s5;
	_ =	sdelay $0x1  }
0xa2: {  	s23 =	simm.s32 $0x1B8B  }
0xa3: {  	_ =	swait.ge [sflag:s23], $0x1  }
0xa4: {  	[sflag:s23] =	ssyncset.done $0x0  }
0xa5: {  	s25 =	simm.s32 $0x1B8E;
	s24 =	sld [smem:$0x3FFE];
	[sflag:s23] =	ssyncadd.s32 $0xFFFFFFFF  }
0xa6: {  	s26 =	simm.s32 $execute0_lowered;
	[smem:$0x3FD2] =	sst s25  }
0xa7: {  	s6 =	sshll.u32 s26, $0x1;
	_ =	strace $0x80000046;
	[dreg:$0x1] =	wrdreg $0xFFFFFFFF  }
0xa8: {  	s28 =	simm.s32 $_size_execute0_lowered;
	s4 =	sadd.s32 s4, s6;
	[dreg:$0x0] =	wrdreg $0x0  }
0xa9: {  	s6 =	sshll.u32 s28, $0x1;
	[dreg:$0x2] =	wrdreg s4  }
0xaa: {  	[dreg:$0x3] =	wrdreg s6  }
0xab: {  	[dreg:$0x4] =	wrdreg $0xC0  }
0xac: {  	_ =	task [dreg:s8], $0x5FFFF  }
0xad: {  	[dreg:$0x1] =	wrdreg $0xFFFFFFFF  }
0xae: {  	[dreg:$0x0] =	wrdreg $0x60  }
0xaf: {  	[dreg:$0x2] =	wrdreg s2  }
0xb0: {  	[dreg:$0x3] =	wrdreg s24  }
0xb1: {  	[dreg:$0x4] =	wrdreg s18  }
0xb2: {  	[dreg:$0x5] =	wrdreg $0x68000  }
0xb3: {  	[dreg:$0x6] =	wrdreg $0x9  }
0xb4: {  	_ =	task.clear_ibuf [dreg:s8], $0x7FFFF;
	_ =	strace $0x90000046  }
0xb5: {  	s29 =	simm.s32 $0x9;
	_ =	strace $0x80000048  }
0xb6: {  	_ =	swait.ge [sflag:s29], $0x1  }
0xb7: {  	[sflag:s29] =	ssyncadd.s32 $0xFFFFFFFF  }
0xb8: {  	_ =	strace $0x90000048  }
0xb9: {  	_ =	sfence  }
0xba: {  	s30 =	sld [smem:$0x0];
	_ =	sdelay $0x2  }
0xbb: {  	s31 =	sshll.u32 s1, $0xD;
	s1 =	sshrl.u32 s1, $0x2  }
0xbc: {  	s3 =	sand.u32 $0x4000, s31;
	s1 =	sadd.s32 s1, s30  }
0xbd: {  	s0 =	sor.u32 s3, s0;
	s1 =	sshll.u32 s1, $0x11  }
0xbe: {  	s0 =	sor.u32 s1, s0  }
0xbf: {  	s0 =	sadd.s32 $0x8F2B, s0  }
0xc0: {  	[sflag:s0] =	ssyncadd.remote.s32 $0x1  }
0xc1: {  	_ =	sfence.sel $0xFFFF  }
0xc2: {  	[dreg:$0x0] =	wrdreg $0xFFFFFFFF;
	(pc) =	sbr.abs _section_cstart, $3  }
0xc3: {  	[dreg:$0x1] =	wrdreg $0xFFFFFFFF  }
0xc4: {  	_ =	task.clear_ibuf [dreg:s8], $0x2FFFF;
	_ =	strace $0x9FFFFFFF  }
0xc5: {  	(tm) =	ssettm $0x7FFFFFFF  }
tec
execute0_lowered:
.L_overlay_start_1:
0x0: {  	(tag) =	ssettag $0x1  }
0x1: {  	s7 =	rddreg [dreg:$0x0]  }
0x2: {  	s5 =	rddreg [dreg:$0x1]  }
0x3: {  	s1 =	rddreg [dreg:$0x2]  }
0x4: {  	s3 =	rddreg [dreg:$0x3]  }
0x5: {  	s0 =	rddreg [dreg:$0x4];
	s2 =	stileid.u32  }
0x6: {  	s4 =	simm.s32 $0x0;
	s6 =	srdreg.scid;
	s13 =	smul.u32 $0x2780, s2  }
0x7: {  	[smem:$0x7FF] =	sst s4;
	s6 =	sand.u32 $0x1, s6;
	s12 =	smul.u32 $0x4F000, s2  }
0x8: {  	s30 =	sshll.u32 s2, $0x6;
	_ =	strace $0x80000047;
	s9 =	smul.u32 $0x27800, s6  }
0x9: {  	s10 =	ssub.s32 $0x2, s6;
	s6 =	sshll.u32 s6, $0x4;
	s8 =	sadd.s32 s13, s5  }
0xa: {  	s11 =	sshrl.u32 s10, $0x1;
	s28 =	sor.u32 s2, s6;
	s29 =	sshrl.u32 s12, $0x2  }
0xb: {  	s6 =	sor.u32 $0x1C01, s30;
	s12 =	simm.s32 $0x80;
	s9 =	sadd.s32 s9, s5  }
0xc: {  	s10 =	ssub.s32 s10, s11;
	s31 =	smul.u32 $0x500, s28;
	s14 =	sadd.s32 s29, s3  }
0xd: {  	s5 =	sadd.s32 $0x400, s8;
	s11 =	simm.s32 $0x2800;
	s15 =	sadd.s32 $0x27C00, s9  }
0xe: {  	s8 =	smax.u32 s10, $0x1;
	s9 =	sshrl.u32 s14, $0x3;
	s10 =	simm.s32 $0x1  }
0xf: {  	s14 =	simm.s32 $0x0;
	s7 =	sadd.s32 s7, s31;
	s13 =	sadd.s32 s13, s15  }
.LBB2_1:
0x10: {  	[spmem:s9], [sflag:s6] =	dma.local [hbm:s5], $0x2780  }
0x11: {  	_ =	swait.ge [sflag:s10], $0x2780  }
0x12: {  	[sflag:s10] =	ssyncset.done $0x0  }
0x13: {  	[sflag:s10] =	ssyncadd.s32 $0xFFFFD880  }
0x14: {  	[tilespmem:s11], [sflag:$0x1] =	stream.linear.gather [hbm4b:s1+s4], $0x4000, $0x38;
	[tilespmem:$0xB700] =	vst v63  }
0x15: {  	_ =	swait.ge [sflag:s10], $0x4000  }
0x16: {  	[sflag:s10] =	ssyncset.done $0x0  }
0x17: {  	[sflag:s10] =	ssyncadd.s32 $0xFFFFC000  }
0x18: {  	[tilespmem:s4], [sflag:$0x1] =	stream.linear.gather [hbm4b:s7+s4], $0x2800, $0x38;
	[tilespmem:$0xB700] =	vst v63  }
0x19: {  	_ =	swait.ge [sflag:s10], $0x2800  }
0x1a: {  	[sflag:s10] =	ssyncset.done $0x0  }
0x1b: {  	[sflag:s10] =	ssyncadd.s32 $0xFFFFD800  }
0x1c: {  	s15 =	simm.s32 $0x0;
	[bflag:$0x0] =	sbarrier.arrive $0xFFFF  }
0x1d: {  	[spmem:s3] =	stream.indirect.scatter.add.f32 [tilespmem:s11], [sflag:$0x1], $0x20, s15, s12, $0xb8;
	[tilespmem:$0xB700] =	vst v63  }
0x1e: {  	_ =	swait.ge [sflag:s10], $0x1000  }
0x1f: {  	s15 =	simm.s32 $0x200;
	[sflag:s10] =	ssyncset.done $0x0  }
.LBB2_2:
0x20: {  	s16 =	sshra.s32 s15, $0x2;
	[sflag:s10] =	ssyncadd.s32 $0xFFFFF000;
	p0 =	sne.s32 s15, $0x9E00  }
0x21: {  	[spmem:s3] =	stream.indirect.scatter.add.f32 [tilespmem:s11], [sflag:$0x1], $0x20, s16, s12, $0xb8;
	[tilespmem:$0xB700] =	vst v63  }
.Ltmp0:
0x22: {  	_ = 	snop;
	(pc) =	sbr.rel @p0 .LBB2_2-.Ltmp0, $4  }
0x23: {  	_ = 	snop  }
0x24: {  	s15 =	sadd.s32 $0x200, s15  }
0x25: {  	_ =	swait.ge [sflag:s10], $0x1000  }
0x26: {  	[sflag:s10] =	ssyncset.done $0x0  }
0x27: {  	s14 =	sadd.s32 $0x1, s14  }
0x28: {  	[sflag:s10] =	ssyncadd.s32 $0xFFFFF000;
	p0 =	sne.s32 s14, s8  }
.Ltmp1:
0x29: {  	[bflag:$0x0] =	sbarrier.arrive $0xFFFF;
	(pc) =	sbr.rel @p0 .LBB2_1-.Ltmp1, $4  }
0x2a: {  	[hbm:s13], [sflag:s6] =	dma.local [spmem:s9], $0x2780  }
0x2b: {  	_ =	swait.ge [sflag:s10], $0x2780  }
0x2c: {  	[sflag:s10] =	ssyncset.done $0x0  }
0x2d: {  	[sflag:s10] =	ssyncadd.s32 $0xFFFFD880  }
0x2e: {  	_ =	sfence.sel $0x180000  }
0x2f: {  	[bflag:$0x0] =	sbarrier.arrive $0xFFFF  }
0x30: {  	p0 =	sne.s32 s2, $0x0;
	_ =	strace $0x90000047  }
0x31: {  	s0 =	sadd.s32 @!p0 $0x100000, s0;
	[bflag:$0x2] =	sbarrier.arrive $0xFFFF  }
0x32: {  	[sflag:s0] =	ssyncadd.tile.s32 @!p0 $0x1;
	_ =	shalt  }
.Lfunc_end2:
_tile_overlayer_lowered:
.L_overlay_start_2:
0x33: {  	(tag) =	ssettag $0x2  }
0x34: {  	s0 =	rddreg [dreg:$0x0];
	s2 =	stileid.u32  }
0x35: {  	s1 =	rddreg [dreg:$0x1];
	p0 =	sne.s32 s2, $0x0  }
0x36: {  	s3 =	rddreg [dreg:$0x2];
	[bflag:$0x3] =	sbarrier.arrive $0xFFFF;
	s2 =	simm.s32 @!p0 $0x1C01  }
0x37: {  	[timem:s3], [sflag:s2] =	dma.local @!p0 [hbm:s0], s1  }
0x38: {  	s0 =	simm.s32 @!p0 $0x1  }
0x39: {  	_ =	swait.ge @!p0 [sflag:s0], s1  }
0x3a: {  	s1 =	ssub.s32 @!p0 $0x0, s1;
	[sflag:s0] =	ssyncset.done @!p0 $0x0  }
0x3b: {  	[sflag:s0] =	ssyncadd.s32 @!p0 s1  }
0x3c: {  	[bflag:$0x3] =	sbarrier.arrive $0xFFFF  }
0x3d: {  	_ =	shalt  }

</sc_bundles>
